<compile_context>
chip_gen: v7x
topology: tpu7x:2x2x1
jax: 0.10.2.dev20260603
libtpu: 0.0.44.dev20260713+nightly
codegen_flags: <defaults>
</compile_context>

<pallas_src>
import functools

import jax
import jax.numpy as jnp
from jax import lax
from jax.experimental import pallas as pl
from jax.experimental.pallas import tpu as pltpu
from jax.experimental.pallas import tpu_sc as plsc

N_TIME = 16
N_SPACE = 99
_TPAD = 128
_NS = 16
_L = 16


def _table_body(obs_ref, alpha_ref, mu_ref, beta_ref, out_ref):
    beta = beta_ref[0, 0]
    obs_f = obs_ref[...].astype(jnp.float32)
    g = lax.dot_general(obs_f, alpha_ref[...], (((1,), (0,)), ((), ())),
                        precision=lax.Precision.HIGHEST,
                        preferred_element_type=jnp.float32)
    tq = lax.broadcasted_iota(jnp.int32, (N_TIME, N_TIME), 0)
    tp = lax.broadcasted_iota(jnp.int32, (N_TIME, N_TIME), 1)
    dt = (tq - tp).astype(jnp.float32)
    w = jnp.where(tp < tq, beta * jnp.exp(-beta * dt), 0.0)
    h = lax.dot_general(w, g, (((1,), (0,)), ((), ())),
                        precision=lax.Precision.HIGHEST,
                        preferred_element_type=jnp.float32)
    out_ref[:, pl.ds(0, N_SPACE)] = jnp.maximum(mu_ref[...] + h, 0.0)


def _build_table(obs, mu, alpha, beta):
    return pl.pallas_call(
        _table_body,
        out_shape=jax.ShapeDtypeStruct((N_TIME, _TPAD), jnp.float32),
    )(obs, alpha, mu.reshape(1, N_SPACE), beta.reshape(1, 1))


def _gather_sc(table, t, s):
    batch = t.shape[0]
    bpw = batch // _NS
    mesh = plsc.VectorSubcoreMesh(core_axis_name="c", subcore_axis_name="s",
                                  num_cores=1)

    @functools.partial(
        pl.kernel,
        out_type=jax.ShapeDtypeStruct((batch,), jnp.float32),
        mesh=mesh,
        compiler_params=pltpu.CompilerParams(needs_layout_passes=False),
        scratch_types=[
            pltpu.VMEM((N_TIME, _TPAD), jnp.float32),
            pltpu.VMEM((bpw,), jnp.int32),
            pltpu.VMEM((bpw,), jnp.int32),
            pltpu.VMEM((bpw,), jnp.float32),
            pltpu.SemaphoreType.DMA,
        ],
    )
    def gather_kernel(table_hbm, t_hbm, s_hbm, out_hbm,
                      table_v, t_v, s_v, out_v, sem):
        sid = lax.axis_index("s")
        base = sid * bpw
        copies = [
            pltpu.async_copy(table_hbm, table_v, sem),
            pltpu.async_copy(t_hbm.at[pl.ds(base, bpw)], t_v, sem),
            pltpu.async_copy(s_hbm.at[pl.ds(base, bpw)], s_v, sem),
        ]
        for c in copies:
            c.wait()
        for j in range(bpw // _L):
            tv = t_v[pl.ds(j * _L, _L)]
            sv = s_v[pl.ds(j * _L, _L)]
            out_v[pl.ds(j * _L, _L)] = plsc.load_gather(table_v, [tv, sv])
        pltpu.sync_copy(out_v, out_hbm.at[pl.ds(base, bpw)])

    return gather_kernel(table, t, s)


def kernel(t, s, obs, mu, alpha, beta):
    table = _build_table(obs, mu, alpha, beta)
    return _gather_sc(table, t.astype(jnp.int32), s.astype(jnp.int32))

# --- scband reference (transcript-rebuilt; emitter-appended) ---
"""Pipeline reference for scband-discrete-hawkes-36782099923577 (READ-ONLY COPY).

The authoritative reference and input builder live on the scoring server;
editing this copy changes nothing except your own understanding.
"""

import jax, jax.numpy as jnp
import numpy as np

N_TIME = 16
N_SPACE = 99
BATCH = 4096

def setup_inputs(seed: int = 0) -> dict:
    key = jax.random.key(seed)
    k1, k2, k3, k4, k5, k6 = jax.random.split(key, 6)
    t = jax.random.randint(k1, (BATCH,), 0, N_TIME)
    s = jax.random.randint(k2, (BATCH,), 0, N_SPACE)
    obs = jax.random.randint(k3, (N_TIME, N_SPACE), 0, 5)
    mu = jax.random.uniform(k4, (N_SPACE,), dtype=jnp.float32) * 0.5
    alpha = jax.random.uniform(k5, (N_SPACE, N_SPACE), dtype=jnp.float32) * 0.1
    beta = jax.random.uniform(k6, (1,), dtype=jnp.float32) + 0.5
    return {"t": t, "s": s, "obs": obs, "mu": mu, "alpha": alpha, "beta": beta}

def reference(t, s, obs, mu, alpha, beta):
    # Faithful translation of DiscreteHawkes.lam with the DiscreteExponentialKernel.
    bsz = t.shape[0]
    n_space = mu.shape[0]
    max_t = obs.shape[0]
    # tp/sp grids expanded to [batch, n_space, max_t] exactly as the torch repeat does
    tp = jnp.broadcast_to(jnp.arange(max_t)[None, None, :], (bsz, n_space, max_t))
    sp = jnp.broadcast_to(jnp.arange(n_space)[None, :, None], (bsz, n_space, max_t))
    t_b = jnp.broadcast_to(t[:, None, None], (bsz, n_space, max_t))
    s_b = jnp.broadcast_to(s[:, None, None], (bsz, n_space, max_t))
    mask = (tp < t_b).astype(jnp.float32)
    # kernel: alpha[sp, s] * obs[tp, sp] * beta * exp(-beta * |t - tp|)
    obs_ = obs[tp, sp].astype(jnp.float32)          # gather from obs table
    alpha_ = alpha[sp, s_b]                          # gather from alpha table
    decay = beta * jnp.exp(-beta * jnp.abs(t_b - tp).astype(jnp.float32))
    val = alpha_ * obs_ * decay
    val = val * mask
    lam = mu[s] + val.sum(axis=(-1, -2))             # gather from mu + reduce
    return jax.nn.relu(lam)

if __name__ == "__main__":
    import jax
    _d = setup_inputs()
    print(jax.jit(kernel)(*tuple(_d.values())))

</pallas_src>

<mosaic_0001>
#map = affine_map<(d0, d1) -> (0, 0)>
#map1 = affine_map<(d0, d1) -> (0)>
module attributes {stable_mosaic.version = 14 : i64} {
  func.func @gather_kernel(%arg0: i32, %arg1: i32, %arg2: memref<16x128xf32, #tpu.memory_space<hbm>>, %arg3: memref<4096xi32, #tpu.memory_space<hbm>>, %arg4: memref<4096xi32, #tpu.memory_space<hbm>>, %arg5: memref<4096xf32, #tpu.memory_space<hbm>>, %arg6: memref<16x128xf32, #tpu.memory_space<vmem>>, %arg7: memref<256xi32, #tpu.memory_space<vmem>>, %arg8: memref<256xi32, #tpu.memory_space<vmem>>, %arg9: memref<256xf32, #tpu.memory_space<vmem>>, %arg10: memref<!tpu.dma_semaphore, #tpu.memory_space<semaphore_mem>>) attributes {dimension_semantics = [#tpu.dimension_semantics<core_parallel>, #tpu.dimension_semantics<subcore_parallel>], iteration_bounds = array<i64: 1, 16>, scalar_prefetch = 0 : i64, scratch_operands = 5 : i64, tpu.core_type = #tpu.core_type<sc_vector_subcore>, window_params = [{transform_indices = #map}, {transform_indices = #map1}, {transform_indices = #map1}, {transform_indices = #map1}]} {
    %mul3A = arith.constant 256 : i32
    %mul3A_0 = arith.muli %arg1, %mul3A : i32
    tpu.enqueue_dma source(%arg2 : memref<16x128xf32, #tpu.memory_space<hbm>>) target(%arg6 : memref<16x128xf32, #tpu.memory_space<vmem>>) target_semaphore(%arg10 : memref<!tpu.dma_semaphore, #tpu.memory_space<semaphore_mem>>)
    %dma_start3A = tpu.memref_slice %arg3[%mul3A_0] : memref<4096xi32, #tpu.memory_space<hbm>> -> memref<256xi32, #tpu.memory_space<hbm>>
    %dma_start3A_1 = tpu.memref_slice %arg3[%mul3A_0] : memref<4096xi32, #tpu.memory_space<hbm>> -> memref<256xi32, #tpu.memory_space<hbm>>
    tpu.enqueue_dma source(%dma_start3A_1 : memref<256xi32, #tpu.memory_space<hbm>>) target(%arg7 : memref<256xi32, #tpu.memory_space<vmem>>) target_semaphore(%arg10 : memref<!tpu.dma_semaphore, #tpu.memory_space<semaphore_mem>>)
    %dma_start3A_2 = tpu.memref_slice %arg4[%mul3A_0] : memref<4096xi32, #tpu.memory_space<hbm>> -> memref<256xi32, #tpu.memory_space<hbm>>
    %dma_start3A_3 = tpu.memref_slice %arg4[%mul3A_0] : memref<4096xi32, #tpu.memory_space<hbm>> -> memref<256xi32, #tpu.memory_space<hbm>>
    tpu.enqueue_dma source(%dma_start3A_3 : memref<256xi32, #tpu.memory_space<hbm>>) target(%arg8 : memref<256xi32, #tpu.memory_space<vmem>>) target_semaphore(%arg10 : memref<!tpu.dma_semaphore, #tpu.memory_space<semaphore_mem>>)
    tpu.wait_dma2 semaphore(%arg10 : memref<!tpu.dma_semaphore, #tpu.memory_space<semaphore_mem>>) src(%arg2 : memref<16x128xf32, #tpu.memory_space<hbm>>) dst(%arg6 : memref<16x128xf32, #tpu.memory_space<vmem>>)
    %dma_wait3A = tpu.memref_slice %arg3[%mul3A_0] : memref<4096xi32, #tpu.memory_space<hbm>> -> memref<256xi32, #tpu.memory_space<hbm>>
    %dma_wait3A_4 = tpu.memref_slice %arg3[%mul3A_0] : memref<4096xi32, #tpu.memory_space<hbm>> -> memref<256xi32, #tpu.memory_space<hbm>>
    tpu.wait_dma2 semaphore(%arg10 : memref<!tpu.dma_semaphore, #tpu.memory_space<semaphore_mem>>) src(%dma_wait3A_4 : memref<256xi32, #tpu.memory_space<hbm>>) dst(%arg7 : memref<256xi32, #tpu.memory_space<vmem>>)
    %dma_wait3A_5 = tpu.memref_slice %arg4[%mul3A_0] : memref<4096xi32, #tpu.memory_space<hbm>> -> memref<256xi32, #tpu.memory_space<hbm>>
    %dma_wait3A_6 = tpu.memref_slice %arg4[%mul3A_0] : memref<4096xi32, #tpu.memory_space<hbm>> -> memref<256xi32, #tpu.memory_space<hbm>>
    tpu.wait_dma2 semaphore(%arg10 : memref<!tpu.dma_semaphore, #tpu.memory_space<semaphore_mem>>) src(%dma_wait3A_6 : memref<256xi32, #tpu.memory_space<hbm>>) dst(%arg8 : memref<256xi32, #tpu.memory_space<vmem>>)
    %get3A = arith.constant 0 : index
    %get3A_7 = tpu.vector_load %arg7[%get3A] {strides = array<i32>} : memref<256xi32, #tpu.memory_space<vmem>>, vector<16xi32>,
    %get3A_8 = arith.constant 0 : index
    %get3A_9 = tpu.vector_load %arg8[%get3A_8] {strides = array<i32>} : memref<256xi32, #tpu.memory_space<vmem>>, vector<16xi32>,
    %gather3A = tpu.vector_load_idx %arg6[%get3A_7, %get3A_9] : memref<16x128xf32, #tpu.memory_space<vmem>>[vector<16xi32>, vector<16xi32>], vector<16xf32>,
    %swap3A = arith.constant 0 : index
    %swap3A_10 = tpu.vector_load %arg9[%swap3A] {strides = array<i32>} : memref<256xf32, #tpu.memory_space<vmem>>, vector<16xf32>,
    tpu.vector_store %arg9[%swap3A], %gather3A {strides = array<i32>} : memref<256xf32, #tpu.memory_space<vmem>>, vector<16xf32>,
    %get3A_11 = arith.constant 16 : index
    %get3A_12 = tpu.vector_load %arg7[%get3A_11] {strides = array<i32>} : memref<256xi32, #tpu.memory_space<vmem>>, vector<16xi32>,
    %get3A_13 = arith.constant 16 : index
    %get3A_14 = tpu.vector_load %arg8[%get3A_13] {strides = array<i32>} : memref<256xi32, #tpu.memory_space<vmem>>, vector<16xi32>,
    %gather3A_15 = tpu.vector_load_idx %arg6[%get3A_12, %get3A_14] : memref<16x128xf32, #tpu.memory_space<vmem>>[vector<16xi32>, vector<16xi32>], vector<16xf32>,
    %swap3A_16 = arith.constant 16 : index
    %swap3A_17 = tpu.vector_load %arg9[%swap3A_16] {strides = array<i32>} : memref<256xf32, #tpu.memory_space<vmem>>, vector<16xf32>,
    tpu.vector_store %arg9[%swap3A_16], %gather3A_15 {strides = array<i32>} : memref<256xf32, #tpu.memory_space<vmem>>, vector<16xf32>,
    %get3A_18 = arith.constant 32 : index
    %get3A_19 = tpu.vector_load %arg7[%get3A_18] {strides = array<i32>} : memref<256xi32, #tpu.memory_space<vmem>>, vector<16xi32>,
    %get3A_20 = arith.constant 32 : index
    %get3A_21 = tpu.vector_load %arg8[%get3A_20] {strides = array<i32>} : memref<256xi32, #tpu.memory_space<vmem>>, vector<16xi32>,
    %gather3A_22 = tpu.vector_load_idx %arg6[%get3A_19, %get3A_21] : memref<16x128xf32, #tpu.memory_space<vmem>>[vector<16xi32>, vector<16xi32>], vector<16xf32>,
    %swap3A_23 = arith.constant 32 : index
    %swap3A_24 = tpu.vector_load %arg9[%swap3A_23] {strides = array<i32>} : memref<256xf32, #tpu.memory_space<vmem>>, vector<16xf32>,
    tpu.vector_store %arg9[%swap3A_23], %gather3A_22 {strides = array<i32>} : memref<256xf32, #tpu.memory_space<vmem>>, vector<16xf32>,
    %get3A_25 = arith.constant 48 : index
    %get3A_26 = tpu.vector_load %arg7[%get3A_25] {strides = array<i32>} : memref<256xi32, #tpu.memory_space<vmem>>, vector<16xi32>,
    %get3A_27 = arith.constant 48 : index
    %get3A_28 = tpu.vector_load %arg8[%get3A_27] {strides = array<i32>} : memref<256xi32, #tpu.memory_space<vmem>>, vector<16xi32>,
    %gather3A_29 = tpu.vector_load_idx %arg6[%get3A_26, %get3A_28] : memref<16x128xf32, #tpu.memory_space<vmem>>[vector<16xi32>, vector<16xi32>], vector<16xf32>,
    %swap3A_30 = arith.constant 48 : index
    %swap3A_31 = tpu.vector_load %arg9[%swap3A_30] {strides = array<i32>} : memref<256xf32, #tpu.memory_space<vmem>>, vector<16xf32>,
    tpu.vector_store %arg9[%swap3A_30], %gather3A_29 {strides = array<i32>} : memref<256xf32, #tpu.memory_space<vmem>>, vector<16xf32>,
    %get3A_32 = arith.constant 64 : index
    %get3A_33 = tpu.vector_load %arg7[%get3A_32] {strides = array<i32>} : memref<256xi32, #tpu.memory_space<vmem>>, vector<16xi32>,
    %get3A_34 = arith.constant 64 : index
    %get3A_35 = tpu.vector_load %arg8[%get3A_34] {strides = array<i32>} : memref<256xi32, #tpu.memory_space<vmem>>, vector<16xi32>,
    %gather3A_36 = tpu.vector_load_idx %arg6[%get3A_33, %get3A_35] : memref<16x128xf32, #tpu.memory_space<vmem>>[vector<16xi32>, vector<16xi32>], vector<16xf32>,
    %swap3A_37 = arith.constant 64 : index
    %swap3A_38 = tpu.vector_load %arg9[%swap3A_37] {strides = array<i32>} : memref<256xf32, #tpu.memory_space<vmem>>, vector<16xf32>,
    tpu.vector_store %arg9[%swap3A_37], %gather3A_36 {strides = array<i32>} : memref<256xf32, #tpu.memory_space<vmem>>, vector<16xf32>,
    %get3A_39 = arith.constant 80 : index
    %get3A_40 = tpu.vector_load %arg7[%get3A_39] {strides = array<i32>} : memref<256xi32, #tpu.memory_space<vmem>>, vector<16xi32>,
    %get3A_41 = arith.constant 80 : index
    %get3A_42 = tpu.vector_load %arg8[%get3A_41] {strides = array<i32>} : memref<256xi32, #tpu.memory_space<vmem>>, vector<16xi32>,
    %gather3A_43 = tpu.vector_load_idx %arg6[%get3A_40, %get3A_42] : memref<16x128xf32, #tpu.memory_space<vmem>>[vector<16xi32>, vector<16xi32>], vector<16xf32>,
    %swap3A_44 = arith.constant 80 : index
    %swap3A_45 = tpu.vector_load %arg9[%swap3A_44] {strides = array<i32>} : memref<256xf32, #tpu.memory_space<vmem>>, vector<16xf32>,
    tpu.vector_store %arg9[%swap3A_44], %gather3A_43 {strides = array<i32>} : memref<256xf32, #tpu.memory_space<vmem>>, vector<16xf32>,
    %get3A_46 = arith.constant 96 : index
    %get3A_47 = tpu.vector_load %arg7[%get3A_46] {strides = array<i32>} : memref<256xi32, #tpu.memory_space<vmem>>, vector<16xi32>,
    %get3A_48 = arith.constant 96 : index
    %get3A_49 = tpu.vector_load %arg8[%get3A_48] {strides = array<i32>} : memref<256xi32, #tpu.memory_space<vmem>>, vector<16xi32>,
    %gather3A_50 = tpu.vector_load_idx %arg6[%get3A_47, %get3A_49] : memref<16x128xf32, #tpu.memory_space<vmem>>[vector<16xi32>, vector<16xi32>], vector<16xf32>,
    %swap3A_51 = arith.constant 96 : index
    %swap3A_52 = tpu.vector_load %arg9[%swap3A_51] {strides = array<i32>} : memref<256xf32, #tpu.memory_space<vmem>>, vector<16xf32>,
    tpu.vector_store %arg9[%swap3A_51], %gather3A_50 {strides = array<i32>} : memref<256xf32, #tpu.memory_space<vmem>>, vector<16xf32>,
    %get3A_53 = arith.constant 112 : index
    %get3A_54 = tpu.vector_load %arg7[%get3A_53] {strides = array<i32>} : memref<256xi32, #tpu.memory_space<vmem>>, vector<16xi32>,
    %get3A_55 = arith.constant 112 : index
    %get3A_56 = tpu.vector_load %arg8[%get3A_55] {strides = array<i32>} : memref<256xi32, #tpu.memory_space<vmem>>, vector<16xi32>,
    %gather3A_57 = tpu.vector_load_idx %arg6[%get3A_54, %get3A_56] : memref<16x128xf32, #tpu.memory_space<vmem>>[vector<16xi32>, vector<16xi32>], vector<16xf32>,
    %swap3A_58 = arith.constant 112 : index
    %swap3A_59 = tpu.vector_load %arg9[%swap3A_58] {strides = array<i32>} : memref<256xf32, #tpu.memory_space<vmem>>, vector<16xf32>,
    tpu.vector_store %arg9[%swap3A_58], %gather3A_57 {strides = array<i32>} : memref<256xf32, #tpu.memory_space<vmem>>, vector<16xf32>,
    %get3A_60 = arith.constant 128 : index
    %get3A_61 = tpu.vector_load %arg7[%get3A_60] {strides = array<i32>} : memref<256xi32, #tpu.memory_space<vmem>>, vector<16xi32>,
    %get3A_62 = arith.constant 128 : index
    %get3A_63 = tpu.vector_load %arg8[%get3A_62] {strides = array<i32>} : memref<256xi32, #tpu.memory_space<vmem>>, vector<16xi32>,
    %gather3A_64 = tpu.vector_load_idx %arg6[%get3A_61, %get3A_63] : memref<16x128xf32, #tpu.memory_space<vmem>>[vector<16xi32>, vector<16xi32>], vector<16xf32>,
    %swap3A_65 = arith.constant 128 : index
    %swap3A_66 = tpu.vector_load %arg9[%swap3A_65] {strides = array<i32>} : memref<256xf32, #tpu.memory_space<vmem>>, vector<16xf32>,
    tpu.vector_store %arg9[%swap3A_65], %gather3A_64 {strides = array<i32>} : memref<256xf32, #tpu.memory_space<vmem>>, vector<16xf32>,
    %get3A_67 = arith.constant 144 : index
    %get3A_68 = tpu.vector_load %arg7[%get3A_67] {strides = array<i32>} : memref<256xi32, #tpu.memory_space<vmem>>, vector<16xi32>,
    %get3A_69 = arith.constant 144 : index
    %get3A_70 = tpu.vector_load %arg8[%get3A_69] {strides = array<i32>} : memref<256xi32, #tpu.memory_space<vmem>>, vector<16xi32>,
    %gather3A_71 = tpu.vector_load_idx %arg6[%get3A_68, %get3A_70] : memref<16x128xf32, #tpu.memory_space<vmem>>[vector<16xi32>, vector<16xi32>], vector<16xf32>,
    %swap3A_72 = arith.constant 144 : index
    %swap3A_73 = tpu.vector_load %arg9[%swap3A_72] {strides = array<i32>} : memref<256xf32, #tpu.memory_space<vmem>>, vector<16xf32>,
    tpu.vector_store %arg9[%swap3A_72], %gather3A_71 {strides = array<i32>} : memref<256xf32, #tpu.memory_space<vmem>>, vector<16xf32>,
    %get3A_74 = arith.constant 160 : index
    %get3A_75 = tpu.vector_load %arg7[%get3A_74] {strides = array<i32>} : memref<256xi32, #tpu.memory_space<vmem>>, vector<16xi32>,
    %get3A_76 = arith.constant 160 : index
    %get3A_77 = tpu.vector_load %arg8[%get3A_76] {strides = array<i32>} : memref<256xi32, #tpu.memory_space<vmem>>, vector<16xi32>,
    %gather3A_78 = tpu.vector_load_idx %arg6[%get3A_75, %get3A_77] : memref<16x128xf32, #tpu.memory_space<vmem>>[vector<16xi32>, vector<16xi32>], vector<16xf32>,
    %swap3A_79 = arith.constant 160 : index
    %swap3A_80 = tpu.vector_load %arg9[%swap3A_79] {strides = array<i32>} : memref<256xf32, #tpu.memory_space<vmem>>, vector<16xf32>,
    tpu.vector_store %arg9[%swap3A_79], %gather3A_78 {strides = array<i32>} : memref<256xf32, #tpu.memory_space<vmem>>, vector<16xf32>,
    %get3A_81 = arith.constant 176 : index
    %get3A_82 = tpu.vector_load %arg7[%get3A_81] {strides = array<i32>} : memref<256xi32, #tpu.memory_space<vmem>>, vector<16xi32>,
    %get3A_83 = arith.constant 176 : index
    %get3A_84 = tpu.vector_load %arg8[%get3A_83] {strides = array<i32>} : memref<256xi32, #tpu.memory_space<vmem>>, vector<16xi32>,
    %gather3A_85 = tpu.vector_load_idx %arg6[%get3A_82, %get3A_84] : memref<16x128xf32, #tpu.memory_space<vmem>>[vector<16xi32>, vector<16xi32>], vector<16xf32>,
    %swap3A_86 = arith.constant 176 : index
    %swap3A_87 = tpu.vector_load %arg9[%swap3A_86] {strides = array<i32>} : memref<256xf32, #tpu.memory_space<vmem>>, vector<16xf32>,
    tpu.vector_store %arg9[%swap3A_86], %gather3A_85 {strides = array<i32>} : memref<256xf32, #tpu.memory_space<vmem>>, vector<16xf32>,
    %get3A_88 = arith.constant 192 : index
    %get3A_89 = tpu.vector_load %arg7[%get3A_88] {strides = array<i32>} : memref<256xi32, #tpu.memory_space<vmem>>, vector<16xi32>,
    %get3A_90 = arith.constant 192 : index
    %get3A_91 = tpu.vector_load %arg8[%get3A_90] {strides = array<i32>} : memref<256xi32, #tpu.memory_space<vmem>>, vector<16xi32>,
    %gather3A_92 = tpu.vector_load_idx %arg6[%get3A_89, %get3A_91] : memref<16x128xf32, #tpu.memory_space<vmem>>[vector<16xi32>, vector<16xi32>], vector<16xf32>,
    %swap3A_93 = arith.constant 192 : index
    %swap3A_94 = tpu.vector_load %arg9[%swap3A_93] {strides = array<i32>} : memref<256xf32, #tpu.memory_space<vmem>>, vector<16xf32>,
    tpu.vector_store %arg9[%swap3A_93], %gather3A_92 {strides = array<i32>} : memref<256xf32, #tpu.memory_space<vmem>>, vector<16xf32>,
    %get3A_95 = arith.constant 208 : index
    %get3A_96 = tpu.vector_load %arg7[%get3A_95] {strides = array<i32>} : memref<256xi32, #tpu.memory_space<vmem>>, vector<16xi32>,
    %get3A_97 = arith.constant 208 : index
    %get3A_98 = tpu.vector_load %arg8[%get3A_97] {strides = array<i32>} : memref<256xi32, #tpu.memory_space<vmem>>, vector<16xi32>,
    %gather3A_99 = tpu.vector_load_idx %arg6[%get3A_96, %get3A_98] : memref<16x128xf32, #tpu.memory_space<vmem>>[vector<16xi32>, vector<16xi32>], vector<16xf32>,
    %swap3A_100 = arith.constant 208 : index
    %swap3A_101 = tpu.vector_load %arg9[%swap3A_100] {strides = array<i32>} : memref<256xf32, #tpu.memory_space<vmem>>, vector<16xf32>,
    tpu.vector_store %arg9[%swap3A_100], %gather3A_99 {strides = array<i32>} : memref<256xf32, #tpu.memory_space<vmem>>, vector<16xf32>,
    %get3A_102 = arith.constant 224 : index
    %get3A_103 = tpu.vector_load %arg7[%get3A_102] {strides = array<i32>} : memref<256xi32, #tpu.memory_space<vmem>>, vector<16xi32>,
    %get3A_104 = arith.constant 224 : index
    %get3A_105 = tpu.vector_load %arg8[%get3A_104] {strides = array<i32>} : memref<256xi32, #tpu.memory_space<vmem>>, vector<16xi32>,
    %gather3A_106 = tpu.vector_load_idx %arg6[%get3A_103, %get3A_105] : memref<16x128xf32, #tpu.memory_space<vmem>>[vector<16xi32>, vector<16xi32>], vector<16xf32>,
    %swap3A_107 = arith.constant 224 : index
    %swap3A_108 = tpu.vector_load %arg9[%swap3A_107] {strides = array<i32>} : memref<256xf32, #tpu.memory_space<vmem>>, vector<16xf32>,
    tpu.vector_store %arg9[%swap3A_107], %gather3A_106 {strides = array<i32>} : memref<256xf32, #tpu.memory_space<vmem>>, vector<16xf32>,
    %get3A_109 = arith.constant 240 : index
    %get3A_110 = tpu.vector_load %arg7[%get3A_109] {strides = array<i32>} : memref<256xi32, #tpu.memory_space<vmem>>, vector<16xi32>,
    %get3A_111 = arith.constant 240 : index
    %get3A_112 = tpu.vector_load %arg8[%get3A_111] {strides = array<i32>} : memref<256xi32, #tpu.memory_space<vmem>>, vector<16xi32>,
    %gather3A_113 = tpu.vector_load_idx %arg6[%get3A_110, %get3A_112] : memref<16x128xf32, #tpu.memory_space<vmem>>[vector<16xi32>, vector<16xi32>], vector<16xf32>,
    %swap3A_114 = arith.constant 240 : index
    %swap3A_115 = tpu.vector_load %arg9[%swap3A_114] {strides = array<i32>} : memref<256xf32, #tpu.memory_space<vmem>>, vector<16xf32>,
    tpu.vector_store %arg9[%swap3A_114], %gather3A_113 {strides = array<i32>} : memref<256xf32, #tpu.memory_space<vmem>>, vector<16xf32>,
    "tpu.region"() ({
      %run_scoped3A = tpu.sem_alloc : memref<!tpu.dma_semaphore, #tpu.memory_space<semaphore_mem>>
      %dma_start3A_116 = tpu.memref_slice %arg5[%mul3A_0] : memref<4096xf32, #tpu.memory_space<hbm>> -> memref<256xf32, #tpu.memory_space<hbm>>
      %dma_start3A_117 = tpu.memref_slice %arg5[%mul3A_0] : memref<4096xf32, #tpu.memory_space<hbm>> -> memref<256xf32, #tpu.memory_space<hbm>>
      tpu.enqueue_dma source(%arg9 : memref<256xf32, #tpu.memory_space<vmem>>) target(%dma_start3A_117 : memref<256xf32, #tpu.memory_space<hbm>>) target_semaphore(%run_scoped3A : memref<!tpu.dma_semaphore, #tpu.memory_space<semaphore_mem>>)
      %dma_wait3A_118 = tpu.memref_slice %arg5[%mul3A_0] : memref<4096xf32, #tpu.memory_space<hbm>> -> memref<256xf32, #tpu.memory_space<hbm>>
      %dma_wait3A_119 = tpu.memref_slice %arg5[%mul3A_0] : memref<4096xf32, #tpu.memory_space<hbm>> -> memref<256xf32, #tpu.memory_space<hbm>>
      tpu.wait_dma2 semaphore(%run_scoped3A : memref<!tpu.dma_semaphore, #tpu.memory_space<semaphore_mem>>) src(%arg9 : memref<256xf32, #tpu.memory_space<vmem>>) dst(%dma_wait3A_119 : memref<256xf32, #tpu.memory_space<hbm>>)
      tpu.yield
    }) : () -> ()
    return
  }
}

module attributes {stable_mosaic.version = 14 : i64} {
  func.func @_table_body(%arg0: memref<16x99xi32, #tpu.memory_space<vmem>>, %arg1: memref<99x99xf32, #tpu.memory_space<vmem>>, %arg2: memref<1x99xf32, #tpu.memory_space<vmem>>, %arg3: memref<1x1xf32, #tpu.memory_space<vmem>>, %arg4: memref<16x128xf32, #tpu.memory_space<vmem>>) attributes {dimension_semantics = [], scalar_prefetch = 0 : i64, scratch_operands = 0 : i64, tpu.core_type = #tpu.core_type<tc>} {
    %get3A = arith.constant 0 : index
    %get3A_0 = arith.constant 0 : index
    %get3A_1 = vector.load %arg3[%get3A, %get3A_0] : memref<1x1xf32, #tpu.memory_space<vmem>>, vector<1x1xf32>
    %get3A_2 = vector.extract %get3A_1[0, 0] : f32 from vector<1x1xf32>
    %get3A_3 = arith.constant 0 : index
    %get3A_4 = arith.constant 0 : index
    %get3A_5 = vector.load %arg0[%get3A_3, %get3A_4] : memref<16x99xi32, #tpu.memory_space<vmem>>, vector<16x99xi32>
    %convert_element_type3A = arith.sitofp %get3A_5 : vector<16x99xi32> to vector<16x99xf32>
    %get3A_6 = arith.constant 0 : index
    %get3A_7 = arith.constant 0 : index
    %get3A_8 = vector.load %arg1[%get3A_6, %get3A_7] : memref<99x99xf32, #tpu.memory_space<vmem>>, vector<99x99xf32>
    %dot_general3A = arith.constant dense<0.000000e+00> : vector<16x99xf32>
    %dot_general3A_9 = tpu.matmul %convert_element_type3A, %get3A_8, %dot_general3A {dimension_numbers = #tpu.dot_dimension_numbers<[1], [0], [0], [1], [0, 0, 1, 1], [], []>, precision = #tpu.contract_precision<fp32>, transpose_lhs_hint = false} : vector<16x99xf32>, vector<99x99xf32>, vector<16x99xf32> -> vector<16x99xf32>
    %iota3A = tpu.iota {dimensions = array<i32: 0>} : vector<16x16xi32>
    %iota3A_10 = tpu.iota {dimensions = array<i32: 1>} : vector<16x16xi32>
    %sub3A = arith.subi %iota3A, %iota3A_10 : vector<16x16xi32>
    %convert_element_type3A_11 = arith.sitofp %sub3A : vector<16x16xi32> to vector<16x16xf32>
    %lt3A = arith.cmpi slt, %iota3A_10, %iota3A : vector<16x16xi32>
    %neg3A = arith.constant 0.000000e+00 : f32
    %neg3A_12 = arith.subf %neg3A, %get3A_2 : f32
    %mul3A = vector.broadcast %neg3A_12 : f32 to vector<16x16xf32>
    %mul3A_13 = arith.mulf %mul3A, %convert_element_type3A_11 : vector<16x16xf32>
    %exp3A = math.exp %mul3A_13 : vector<16x16xf32>
    %mul3A_14 = vector.broadcast %get3A_2 : f32 to vector<16x16xf32>
    %mul3A_15 = arith.mulf %mul3A_14, %exp3A : vector<16x16xf32>
    %jit3A = arith.constant 0.000000e+00 : f32
    %broadcast_in_dim3A = vector.broadcast %jit3A : f32 to vector<16x16xf32>
    %select_n3A = arith.select %lt3A, %mul3A_15, %broadcast_in_dim3A : vector<16x16xi1>, vector<16x16xf32>
    %dot_general3A_16 = arith.constant dense<0.000000e+00> : vector<16x99xf32>
    %dot_general3A_17 = tpu.matmul %select_n3A, %dot_general3A_9, %dot_general3A_16 {dimension_numbers = #tpu.dot_dimension_numbers<[1], [0], [0], [1], [0, 0, 1, 1], [], []>, precision = #tpu.contract_precision<fp32>, transpose_lhs_hint = false} : vector<16x16xf32>, vector<16x99xf32>, vector<16x99xf32> -> vector<16x99xf32>
    %get3A_18 = arith.constant 0 : index
    %get3A_19 = arith.constant 0 : index
    %get3A_20 = vector.load %arg2[%get3A_18, %get3A_19] : memref<1x99xf32, #tpu.memory_space<vmem>>, vector<1x99xf32>
    %add3A = vector.broadcast %get3A_20 : vector<1x99xf32> to vector<16x99xf32>
    %add3A_21 = arith.addf %add3A, %dot_general3A_17 : vector<16x99xf32>
    %max3A = arith.constant 0.000000e+00 : f32
    %max3A_22 = vector.broadcast %max3A : f32 to vector<16x99xf32>
    %max3A_23 = arith.maximumf %add3A_21, %max3A_22 : vector<16x99xf32>
    %swap3A = arith.constant 0 : index
    %swap3A_24 = arith.constant 0 : index
    %swap3A_25 = vector.load %arg4[%swap3A, %swap3A_24] : memref<16x128xf32, #tpu.memory_space<vmem>>, vector<16x99xf32>
    tpu.vector_store %arg4[%swap3A, %swap3A_24], %max3A_23 {strides = array<i32>} : memref<16x128xf32, #tpu.memory_space<vmem>>, vector<16x99xf32>,
    return
  }
}

</mosaic_0001>

<sc_bundles>
// kernel: kernel.4.cloned.1.call-start
scs
__scs_entry_jumppad:
0x0: {  	(pc) =	sbr.rel $0x88, $3  }
0x1: {  	(tag) =	ssettag $0x0;
	lr =	simm.s32 $0x1  }
0x2: {  	[smem:$0x3F9B] =	sst lr;
	_ =	strace $0xD0000000  }
0x3: {  	_ = 	snop  }
0x4: {  	_ = 	snop  }
0x5: {  	_ = 	snop  }
0x6: {  	_ = 	snop  }
0x7: {  	_ = 	snop  }
__scs_overlays_trampoline_lowered:
0x8: {  	[smem:$0x3FAA] =	sst s0  }
0x9: {  	[smem:$0x3FAB] =	sst s1  }
0xa: {  	[smem:$0x3FAC] =	sst s2  }
0xb: {  	[smem:$0x3FAD] =	sst s3  }
0xc: {  	[smem:$0x3FAE] =	sst s4  }
0xd: {  	[smem:$0x3FAF] =	sst s5  }
0xe: {  	[smem:$0x3FB0] =	sst s6  }
0xf: {  	[smem:$0x3FB1] =	sst s7  }
0x10: {  	[smem:$0x3FB2] =	sst s8  }
0x11: {  	[smem:$0x3FB3] =	sst s9;
	s0 =	simm.s32 @!p0 $0x0  }
0x12: {  	s1 =	sld [smem:$0x3F99];
	s0 =	simm.s32 @p0 $0x1  }
0x13: {  	[smem:$0x3FB4] =	sst s0;
	s0 =	simm.s32 @!p1 $0x0  }
0x14: {  	s2 =	sld [smem:$0x3F98];
	s0 =	simm.s32 @p1 $0x1  }
0x15: {  	[smem:$0x3FB5] =	sst s0;
	s0 =	simm.s32 @!p2 $0x0  }
0x16: {  	s3 =	sld [smem:$0x3FDB];
	s0 =	simm.s32 @p2 $0x1  }
0x17: {  	s4 =	simm.s32 $0x1BF5;
	[smem:$0x3FB7] =	sst s0  }
0x18: {  	s0 =	sld [smem:$0x3F9A];
	_ =	swait.ge [sflag:s4], $0x0  }
0x19: {  	s7 =	sld [smem:$0x3F9B]  }
0x1a: {  	s8 =	sadd.s32 $0xFFFFE003, lr  }
0x1b: {  	s9 =	sadd.s32 $0xFFFFFEF7, lr;
	s5 =	simm.s32 $0xFFFFFFFF;
	p2 =	slt.u32 s8, $0xFFFFF086  }
0x1c: {  	p1 =	slt.u32 s9, $0xF7A;
	s5 =	simm.s32 @!p2 $0x0  }
0x1d: {  	s5 =	simm.s32 @p1 $0x1;
	p0 =	seq.s32 s7, s2  }
0x1e: {  	s7 =	smul.u32 @!p0 $0xF7A, s2;
	p2 =	seq.s32 @!p0 s5, $0x0  }
0x1f: {  	s9 =	smul.u32 $0xF7A, s1;
	s8 =	simm.s32 @!p0 $0x1BF5;
	p2 =	por !p2, p0  }
0x20: {  	[sflag:s8] =	ssyncset.s32 @!p0 $0xFFFFF086;
	s6 =	sadd.s32 @!p0 s3, s7;
	s7 =	simm.s32 @!p0 $0x108  }
0x21: {  	s3 =	sadd.s32 s3, s9;
	s6 =	sadd.s32 @!p0 $0x88, s6;
	s7 =	simm.s32 @p2 $0x1082  }
0x22: {  	[simem:s7], [sflag:s8] =	dma.local @!p0 [hbm:s6], $0xF7A  }
0x23: {  	s9 =	sor.u32 $0xD0000000, s2;
	s6 =	simm.s32 $0x108;
	_ =	swait.ge @!p0 [sflag:s8], $0x0  }
0x24: {  	s3 =	sadd.s32 $0x88, s3;
	s6 =	simm.s32 @!p1 $0x1082;
	[sflag:s4] =	ssyncset.s32 $0xFFFFF086  }
0x25: {  	[simem:s6], [sflag:s4] =	dma.local [hbm:s3], $0xF7A  }
0x26: {  	[smem:$0x3F9B] =	sst s1;
	(tag) =	ssettag s2;
	_ =	strace s9  }
0x27: {  	s1 =	sld [smem:$0x3FAB]  }
0x28: {  	s2 =	sld [smem:$0x3FAC]  }
0x29: {  	s4 =	sld [smem:$0x3FAE]  }
0x2a: {  	p0 =	seq.s32 s5, $0x0;
	s5 =	sld [smem:$0x3FAF]  }
0x2b: {  	s6 =	sld [smem:$0x3FB0]  }
0x2c: {  	s7 =	sld [smem:$0x3FB1]  }
0x2d: {  	s3 =	simm.s32 $0x108;
	s8 =	sld [smem:$0x3FB2]  }
0x2e: {  	s3 =	simm.s32 @!p0 $0x1082;
	s9 =	sld [smem:$0x3FB3]  }
0x2f: {  	lr =	sadd.s32 s0, s3;
	s0 =	sld [smem:$0x3FAA]  }
0x30: {  	s3 =	sld [smem:$0x3FAD]  }
0x31: {  	[smem:$0x3FB6] =	sst s10  }
0x32: {  	s10 =	sld [smem:$0x3FB4];
	_ =	sdelay $0x3  }
0x33: {  	p0 =	seq.s32 s10, $0x1;
	s10 =	sld [smem:$0x3FB6];
	_ =	sdelay $0x3  }
0x34: {  	[smem:$0x3FB6] =	sst s10  }
0x35: {  	s10 =	sld [smem:$0x3FB5];
	_ =	sdelay $0x3  }
0x36: {  	p1 =	seq.s32 s10, $0x1;
	s10 =	sld [smem:$0x3FB6];
	_ =	sdelay $0x3  }
0x37: {  	[smem:$0x3FB6] =	sst s10  }
0x38: {  	s10 =	sld [smem:$0x3FB7]  }
0x39: {  	_ = 	snop;
	(pc) =	sbr.ind lr, $3  }
0x3a: {  	_ = 	snop  }
0x3b: {  	_ = 	snop  }
0x3c: {  	p2 =	seq.s32 s10, $0x1;
	s10 =	sld [smem:$0x3FB6]  }
0x3d: {  	_ =	shalt  }
0x3e: {  	_ =	shalt  }
0x3f: {  	_ =	shalt  }
0x40: {  	_ =	shalt  }
0x41: {  	_ =	shalt  }
0x42: {  	_ =	shalt  }
0x43: {  	_ =	shalt  }
0x44: {  	_ =	shalt  }
0x45: {  	_ =	shalt  }
0x46: {  	_ =	shalt  }
0x47: {  	_ =	shalt  }
0x48: {  	_ =	shalt  }
0x49: {  	_ =	shalt  }
0x4a: {  	_ =	shalt  }
0x4b: {  	_ =	shalt  }
0x4c: {  	_ =	shalt  }
0x4d: {  	_ =	shalt  }
0x4e: {  	_ =	shalt  }
0x4f: {  	_ =	shalt  }
0x50: {  	_ =	shalt  }
0x51: {  	_ =	shalt  }
0x52: {  	_ =	shalt  }
0x53: {  	_ =	shalt  }
0x54: {  	_ =	shalt  }
0x55: {  	_ =	shalt  }
0x56: {  	_ =	shalt  }
0x57: {  	_ =	shalt  }
0x58: {  	_ =	shalt  }
0x59: {  	_ =	shalt  }
0x5a: {  	_ =	shalt  }
0x5b: {  	_ =	shalt  }
0x5c: {  	_ =	shalt  }
0x5d: {  	_ =	shalt  }
0x5e: {  	_ =	shalt  }
0x5f: {  	_ =	shalt  }
0x60: {  	_ =	shalt  }
0x61: {  	_ =	shalt  }
0x62: {  	_ =	shalt  }
0x63: {  	_ =	shalt  }
0x64: {  	_ =	shalt  }
0x65: {  	_ =	shalt  }
0x66: {  	_ =	shalt  }
0x67: {  	_ =	shalt  }
0x68: {  	_ =	shalt  }
0x69: {  	_ =	shalt  }
0x6a: {  	_ =	shalt  }
0x6b: {  	_ =	shalt  }
0x6c: {  	_ =	shalt  }
0x6d: {  	_ =	shalt  }
0x6e: {  	_ =	shalt  }
0x6f: {  	_ =	shalt  }
0x70: {  	_ =	shalt  }
0x71: {  	_ =	shalt  }
0x72: {  	_ =	shalt  }
0x73: {  	_ =	shalt  }
0x74: {  	_ =	shalt  }
0x75: {  	_ =	shalt  }
0x76: {  	_ =	shalt  }
0x77: {  	_ =	shalt  }
0x78: {  	_ =	shalt  }
0x79: {  	_ =	shalt  }
0x7a: {  	_ =	shalt  }
0x7b: {  	_ =	shalt  }
0x7c: {  	_ =	shalt  }
0x7d: {  	_ =	shalt  }
0x7e: {  	_ =	shalt  }
0x7f: {  	_ =	shalt  }
0x80: {  	_ =	shalt  }
0x81: {  	_ =	shalt  }
0x82: {  	_ =	shalt  }
0x83: {  	_ =	shalt  }
0x84: {  	_ =	shalt  }
0x85: {  	_ =	shalt  }
0x86: {  	_ =	shalt  }
0x87: {  	_ =	shalt  }
.Lfunc_end0:
.L_simem_size_0:
called_computation_lowered:
.L_overlay_start_0:
0x88: {  	s0 =	sld [smem:$0x3FD9]  }
0x89: {  	s1 =	sld [smem:$0x3FFE];
	_ =	sdelay $0x3  }
0x8a: {  	s0 =	sadd.s32 s1, s0  }
0x8b: {  	[smem:$0x3FC2] =	sst s0  }
0x8c: {  	_ = 	snop  }
0x8d: {  	s0 =	sld [smem:$0x3FC9]  }
0x8e: {  	s16 =	sld [smem:$0x3FC8]  }
0x8f: {  	s2 =	sld [smem:$0x3FD0];
	(tm) =	ssettm $0x1  }
0x90: {  	s3 =	sld [smem:$0x3FFB];
	_ =	sdelay $0x3  }
0x91: {  	_ =	strace s3  }
0x92: {  	s3 =	sld [smem:$0x3FFC];
	_ =	sdelay $0x3  }
0x93: {  	_ =	strace s3  }
0x94: {  	s3 =	sld [smem:$0x3FFD];
	_ =	sdelay $0x3  }
0x95: {  	_ =	strace s3  }
0x96: {  	_ =	strace $0x8FFFFFFF  }
0x97: {  	s17 =	sld [smem:$0x3FDB];
	_ =	sdelay $0x1  }
0x98: {  	s4 =	simm.s32 $_scs_section_size  }
0x99: {  	s5 =	simm.s32 $_size__tile_overlayer_lowered;
	s6 =	simm.s32 $_tile_overlayer_lowered  }
0x9a: {  	s20 =	simm.s32 $0x1BFF;
	s19 =	sshll.u32 s6, $0x1;
	s3 =	sadd.s32 s4, s17  }
0x9b: {  	s7 =	simm.s32 $0x0;
	s18 =	sshll.u32 s5, $0x1;
	s5 =	sadd.s32 s19, s3  }
0x9c: {  	[timem:s7], [sflag:s20] =	dma.local [hbm:s5], s18  }
0x9d: {  	_ =	swait.ge [sflag:s20], s18  }
0x9e: {  	s4 =	ssub.s32 $0x0, s18;
	[sflag:s20] =	ssyncset.done $0x0  }
0x9f: {  	[sflag:s20] =	ssyncadd.s32 s4;
	_ =	sdelay $0x1  }
0xa0: {  	s21 =	simm.s32 $0x1B8B  }
0xa1: {  	_ =	swait.ge [sflag:s21], $0x1  }
0xa2: {  	[sflag:s21] =	ssyncset.done $0x0  }
0xa3: {  	s23 =	simm.s32 $0x1B8E;
	s22 =	sld [smem:$0x3FFE];
	[sflag:s21] =	ssyncadd.s32 $0xFFFFFFFF  }
0xa4: {  	s24 =	simm.s32 $execute0_lowered;
	[smem:$0x3FD2] =	sst s23  }
0xa5: {  	s5 =	sshll.u32 s24, $0x1;
	_ =	strace $0x80000046;
	[dreg:$0x1] =	wrdreg $0xFFFFFFFF  }
0xa6: {  	s25 =	simm.s32 $_size_execute0_lowered;
	s3 =	sadd.s32 s3, s5;
	[dreg:$0x0] =	wrdreg $0x0  }
0xa7: {  	s5 =	sshll.u32 s25, $0x1;
	[dreg:$0x2] =	wrdreg s3  }
0xa8: {  	[dreg:$0x3] =	wrdreg s5  }
0xa9: {  	[dreg:$0x4] =	wrdreg $0xC0  }
0xaa: {  	_ =	task [dreg:s7], $0x5FFFF  }
0xab: {  	[dreg:$0x1] =	wrdreg $0xFFFFFFFF  }
0xac: {  	[dreg:$0x0] =	wrdreg $0x60  }
0xad: {  	[dreg:$0x2] =	wrdreg s22  }
0xae: {  	[dreg:$0x3] =	wrdreg s0  }
0xaf: {  	[dreg:$0x4] =	wrdreg s16  }
0xb0: {  	[dreg:$0x5] =	wrdreg s2  }
0xb1: {  	[dreg:$0x6] =	wrdreg $0x9  }
0xb2: {  	_ =	task.clear_ibuf [dreg:s7], $0x7FFFF;
	_ =	strace $0x90000046  }
0xb3: {  	s26 =	simm.s32 $0x9;
	_ =	strace $0x80000048  }
0xb4: {  	_ =	swait.ge [sflag:s26], $0x1  }
0xb5: {  	[sflag:s26] =	ssyncadd.s32 $0xFFFFFFFF  }
0xb6: {  	_ =	strace $0x90000048  }
0xb7: {  	_ =	sfence  }
0xb8: {  	s28 =	sld [smem:$0x0];
	_ =	sdelay $0x1  }
0xb9: {  	s29 =	srdreg.scid  }
0xba: {  	s30 =	sshll.u32 s29, $0xD;
	s31 =	sshrl.u32 s29, $0x2  }
0xbb: {  	s1 =	sand.u32 $0x1, s29;
	s2 =	sand.u32 $0x4000, s30;
	s0 =	sadd.s32 s31, s28  }
0xbc: {  	s1 =	sor.u32 s2, s1;
	s0 =	sshll.u32 s0, $0x11  }
0xbd: {  	s0 =	sor.u32 s0, s1  }
0xbe: {  	s0 =	sadd.s32 $0x8F2B, s0  }
0xbf: {  	[sflag:s0] =	ssyncadd.remote.s32 $0x1  }
0xc0: {  	_ =	sfence.sel $0xFFFF  }
0xc1: {  	[dreg:$0x0] =	wrdreg $0xFFFFFFFF;
	(pc) =	sbr.abs _section_cstart, $3  }
0xc2: {  	[dreg:$0x1] =	wrdreg $0xFFFFFFFF  }
0xc3: {  	_ =	task.clear_ibuf [dreg:s7], $0x2FFFF;
	_ =	strace $0x9FFFFFFF  }
0xc4: {  	(tm) =	ssettm $0x7FFFFFFF  }
0xc5: {  	_ =	shalt  }
tec
execute0_lowered:
.L_overlay_start_1:
0x0: {  	(tag) =	ssettag $0x1  }
0x1: {  	s4 =	rddreg [dreg:$0x0]  }
0x2: {  	s5 =	rddreg [dreg:$0x1]  }
0x3: {  	s6 =	rddreg [dreg:$0x2]  }
0x4: {  	s3 =	rddreg [dreg:$0x3]  }
0x5: {  	s0 =	rddreg [dreg:$0x4];
	s2 =	simm.s32 $0x0  }
0x6: {  	s1 =	stileid.u32;
	[smem:$0x7FF] =	sst s2  }
0x7: {  	s7 =	sadd.s32 $0xC00, s4;
	s24 =	sshll.u32 s1, $0x5;
	_ =	strace $0x80000047  }
0x8: {  	[tilespmem:s2], [sflag:$0x1] =	stream.linear.gather [hbm4b:s7+s2], $0x800, $0x38;
	[tilespmem:$0xB00] =	vst v63  }
0x9: {  	s25 =	simm.s32 $0x800;
	s5 =	sadd.s32 s5, s24  }
0xa: {  	[tilespmem:s25], [sflag:$0x1] =	stream.linear.gather [hbm4b:s5+s2], $0x100, $0x38;
	[tilespmem:$0xB00] =	vst v63  }
0xb: {  	s28 =	simm.s32 $0x900;
	s29 =	simm.s32 $0x1;
	s26 =	sadd.s32 s6, s24  }
0xc: {  	[tilespmem:s28], [sflag:$0x1] =	stream.linear.gather [hbm4b:s26+s2], $0x100, $0x38;
	[tilespmem:$0xB00] =	vst v63  }
0xd: {  	_ =	swait.ge [sflag:s29], $0x800  }
0xe: {  	[sflag:s29] =	ssyncset.done $0x0  }
0xf: {  	[sflag:s29] =	ssyncadd.s32 $0xFFFFF800  }
0x10: {  	_ =	swait.ge [sflag:s29], $0x100  }
0x11: {  	[sflag:s29] =	ssyncset.done $0x0  }
0x12: {  	[sflag:s29] =	ssyncadd.s32 $0xFFFFFF00  }
0x13: {  	_ =	swait.ge [sflag:s29], $0x100  }
0x14: {  	[sflag:s29] =	ssyncset.done $0x0  }
0x15: {  	[sflag:s29] =	ssyncadd.s32 $0xFFFFFF00  }
0x16: {  	v0 =	vld [tilespmem:$0x800]  }
0x17: {  	v1 =	vld [tilespmem:$0x900];
	_ =	sdelay $0x4  }
0x18: {  	v3 =	vld [tilespmem:$0x810];
	v2 =	vand.u32 $0xFFFFFF80, v1;
	v0 =	vshll.u32 v0, $0x7  }
0x19: {  	v14 =	vld [tilespmem:$0x910];
	v1 =	vand.u32 $0x7F, v1;
	v0 =	vadd.s32 v0, v2  }
0x1a: {  	v0 =	vor.u32 v1, v0;
	_ =	sdelay $0x2  }
0x1b: {  	v16 =	vld [tilespmem:$0x820]  }
0x1c: {  	v17 =	vld [tilespmem:$0x920];
	v15 =	vand.u32 $0xFFFFFF80, v14;
	v3 =	vshll.u32 v3, $0x7  }
0x1d: {  	v2 =	vand.u32 $0x7F, v14;
	v1 =	vadd.s32 v3, v15;
	v0 =	vld.idx.msk [tilespmem:v0+s2+$0x0], $0xffff  }
0x1e: {  	v1 =	vor.u32 v2, v1;
	_ =	sdelay $0x2  }
0x1f: {  	v4 =	vld [tilespmem:$0x830]  }
0x20: {  	v19 =	vld [tilespmem:$0x930];
	v18 =	vand.u32 $0xFFFFFF80, v17;
	v2 =	vshll.u32 v16, $0x7;
	[tilespmem:$0xA00] =	vst v0  }
0x21: {  	v3 =	vand.u32 $0x7F, v17;
	v0 =	vld.idx.msk [tilespmem:v1+s2+$0x0], $0xffff;
	v1 =	vadd.s32 v2, v18  }
0x22: {  	v1 =	vor.u32 v3, v1;
	_ =	sdelay $0x2  }
0x23: {  	v22 =	vld [tilespmem:$0x840]  }
0x24: {  	v23 =	vld [tilespmem:$0x940];
	v20 =	vand.u32 $0xFFFFFF80, v19;
	v21 =	vshll.u32 v4, $0x7;
	[tilespmem:$0xA10] =	vst v0  }
0x25: {  	v2 =	vand.u32 $0x7F, v19;
	v0 =	vadd.s32 v21, v20;
	v1 =	vld.idx.msk [tilespmem:v1+s2+$0x0], $0xffff  }
0x26: {  	v0 =	vor.u32 v2, v0;
	_ =	sdelay $0x2  }
0x27: {  	v25 =	vld [tilespmem:$0x850]  }
0x28: {  	v26 =	vld [tilespmem:$0x950];
	v24 =	vand.u32 $0xFFFFFF80, v23;
	v2 =	vshll.u32 v22, $0x7;
	[tilespmem:$0xA20] =	vst v1  }
0x29: {  	v3 =	vand.u32 $0x7F, v23;
	v1 =	vadd.s32 v2, v24;
	v0 =	vld.idx.msk [tilespmem:v0+s2+$0x0], $0xffff  }
0x2a: {  	v1 =	vor.u32 v3, v1;
	_ =	sdelay $0x2  }
0x2b: {  	v29 =	vld [tilespmem:$0x860]  }
0x2c: {  	v30 =	vld [tilespmem:$0x960];
	v27 =	vand.u32 $0xFFFFFF80, v26;
	v28 =	vshll.u32 v25, $0x7;
	[tilespmem:$0xA30] =	vst v0  }
0x2d: {  	v2 =	vand.u32 $0x7F, v26;
	v0 =	vadd.s32 v28, v27;
	v1 =	vld.idx.msk [tilespmem:v1+s2+$0x0], $0xffff  }
0x2e: {  	v0 =	vor.u32 v2, v0;
	_ =	sdelay $0x2  }
0x2f: {  	v32 =	vld [tilespmem:$0x870]  }
0x30: {  	v33 =	vld [tilespmem:$0x970];
	v31 =	vand.u32 $0xFFFFFF80, v30;
	v2 =	vshll.u32 v29, $0x7;
	[tilespmem:$0xA40] =	vst v1  }
0x31: {  	v3 =	vand.u32 $0x7F, v30;
	v1 =	vadd.s32 v2, v31;
	v0 =	vld.idx.msk [tilespmem:v0+s2+$0x0], $0xffff  }
0x32: {  	v1 =	vor.u32 v3, v1;
	_ =	sdelay $0x2  }
0x33: {  	v36 =	vld [tilespmem:$0x880]  }
0x34: {  	v37 =	vld [tilespmem:$0x980];
	v34 =	vand.u32 $0xFFFFFF80, v33;
	v35 =	vshll.u32 v32, $0x7;
	[tilespmem:$0xA50] =	vst v0  }
0x35: {  	v2 =	vand.u32 $0x7F, v33;
	v0 =	vadd.s32 v35, v34;
	v1 =	vld.idx.msk [tilespmem:v1+s2+$0x0], $0xffff  }
0x36: {  	v0 =	vor.u32 v2, v0;
	_ =	sdelay $0x2  }
0x37: {  	v39 =	vld [tilespmem:$0x890]  }
0x38: {  	v40 =	vld [tilespmem:$0x990];
	v38 =	vand.u32 $0xFFFFFF80, v37;
	v2 =	vshll.u32 v36, $0x7;
	[tilespmem:$0xA60] =	vst v1  }
0x39: {  	v3 =	vand.u32 $0x7F, v37;
	v1 =	vadd.s32 v2, v38;
	v0 =	vld.idx.msk [tilespmem:v0+s2+$0x0], $0xffff  }
0x3a: {  	v1 =	vor.u32 v3, v1;
	_ =	sdelay $0x2  }
0x3b: {  	v43 =	vld [tilespmem:$0x8A0]  }
0x3c: {  	v44 =	vld [tilespmem:$0x9A0];
	v41 =	vand.u32 $0xFFFFFF80, v40;
	v42 =	vshll.u32 v39, $0x7;
	[tilespmem:$0xA70] =	vst v0  }
0x3d: {  	v2 =	vand.u32 $0x7F, v40;
	v0 =	vadd.s32 v42, v41;
	v1 =	vld.idx.msk [tilespmem:v1+s2+$0x0], $0xffff  }
0x3e: {  	v0 =	vor.u32 v2, v0;
	_ =	sdelay $0x2  }
0x3f: {  	v46 =	vld [tilespmem:$0x8B0]  }
0x40: {  	v47 =	vld [tilespmem:$0x9B0];
	v45 =	vand.u32 $0xFFFFFF80, v44;
	v2 =	vshll.u32 v43, $0x7;
	[tilespmem:$0xA80] =	vst v1  }
0x41: {  	v3 =	vand.u32 $0x7F, v44;
	v1 =	vadd.s32 v2, v45;
	v0 =	vld.idx.msk [tilespmem:v0+s2+$0x0], $0xffff  }
0x42: {  	v1 =	vor.u32 v3, v1;
	_ =	sdelay $0x2  }
0x43: {  	v50 =	vld [tilespmem:$0x8C0]  }
0x44: {  	v51 =	vld [tilespmem:$0x9C0];
	v48 =	vand.u32 $0xFFFFFF80, v47;
	v49 =	vshll.u32 v46, $0x7;
	[tilespmem:$0xA90] =	vst v0  }
0x45: {  	v2 =	vand.u32 $0x7F, v47;
	v0 =	vadd.s32 v49, v48;
	v1 =	vld.idx.msk [tilespmem:v1+s2+$0x0], $0xffff  }
0x46: {  	v0 =	vor.u32 v2, v0;
	_ =	sdelay $0x2  }
0x47: {  	v53 =	vld [tilespmem:$0x8D0]  }
0x48: {  	v54 =	vld [tilespmem:$0x9D0];
	v52 =	vand.u32 $0xFFFFFF80, v51;
	v2 =	vshll.u32 v50, $0x7;
	[tilespmem:$0xAA0] =	vst v1  }
0x49: {  	v3 =	vand.u32 $0x7F, v51;
	v1 =	vadd.s32 v2, v52;
	v0 =	vld.idx.msk [tilespmem:v0+s2+$0x0], $0xffff  }
0x4a: {  	v1 =	vor.u32 v3, v1;
	_ =	sdelay $0x2  }
0x4b: {  	v57 =	vld [tilespmem:$0x8E0]  }
0x4c: {  	v58 =	vld [tilespmem:$0x9E0];
	v55 =	vand.u32 $0xFFFFFF80, v54;
	v56 =	vshll.u32 v53, $0x7;
	[tilespmem:$0xAB0] =	vst v0  }
0x4d: {  	v2 =	vand.u32 $0x7F, v54;
	v0 =	vadd.s32 v56, v55;
	v1 =	vld.idx.msk [tilespmem:v1+s2+$0x0], $0xffff  }
0x4e: {  	v0 =	vor.u32 v2, v0;
	_ =	sdelay $0x2  }
0x4f: {  	v60 =	vld [tilespmem:$0x8F0]  }
0x50: {  	v61 =	vld [tilespmem:$0x9F0];
	v59 =	vand.u32 $0xFFFFFF80, v58;
	v2 =	vshll.u32 v57, $0x7;
	[tilespmem:$0xAC0] =	vst v1  }
0x51: {  	v3 =	vand.u32 $0x7F, v58;
	v1 =	vadd.s32 v2, v59;
	v0 =	vld.idx.msk [tilespmem:v0+s2+$0x0], $0xffff  }
0x52: {  	v1 =	vor.u32 v3, v1;
	_ =	sdelay $0x3  }
0x53: {  	v62 =	vand.u32 $0xFFFFFF80, v61;
	v63 =	vshll.u32 v60, $0x7;
	[tilespmem:$0xAD0] =	vst v0  }
0x54: {  	v2 =	vand.u32 $0x7F, v61;
	v0 =	vadd.s32 v63, v62;
	v1 =	vld.idx.msk [tilespmem:v1+s2+$0x0], $0xffff  }
0x55: {  	v0 =	vor.u32 v2, v0;
	_ =	sdelay $0x3  }
0x56: {  	[tilespmem:$0xAE0] =	vst v1  }
0x57: {  	v0 =	vld.idx.msk [tilespmem:v0+s2+$0x0], $0xffff;
	_ =	sdelay $0x4  }
0x58: {  	s30 =	simm.s32 $0xA00;
	s31 =	simm.s32 $0x2;
	s3 =	sadd.s32 s3, s24;
	[tilespmem:$0xAF0] =	vst v0  }
0x59: {  	[hbm4b:s3+s2] =	stream.linear.scatter [tilespmem:s30], [sflag:$0x2], $0x100, $0x38;
	[tilespmem:$0xB00] =	vst v63  }
0x5a: {  	_ =	swait.ge [sflag:s31], $0x100  }
0x5b: {  	[sflag:s31] =	ssyncset.done $0x0  }
0x5c: {  	[sflag:s31] =	ssyncadd.s32 $0xFFFFFF00  }
0x5d: {  	_ =	sfence.sel $0x180000  }
0x5e: {  	[bflag:$0x0] =	sbarrier.arrive $0xFFFF  }
0x5f: {  	p0 =	sne.s32 s1, $0x0;
	_ =	strace $0x90000047  }
0x60: {  	s0 =	sadd.s32 @!p0 $0x100000, s0;
	[bflag:$0x2] =	sbarrier.arrive $0xFFFF  }
0x61: {  	[sflag:s0] =	ssyncadd.tile.s32 @!p0 $0x1;
	_ =	shalt  }
.Lfunc_end2:
_tile_overlayer_lowered:
.L_overlay_start_2:
0x62: {  	(tag) =	ssettag $0x2  }
0x63: {  	s0 =	rddreg [dreg:$0x0];
	s2 =	stileid.u32  }
0x64: {  	s1 =	rddreg [dreg:$0x1];
	p0 =	sne.s32 s2, $0x0  }
0x65: {  	s3 =	rddreg [dreg:$0x2];
	[bflag:$0x3] =	sbarrier.arrive $0xFFFF;
	s2 =	simm.s32 @!p0 $0x1C02  }
0x66: {  	[timem:s3], [sflag:s2] =	dma.local @!p0 [hbm:s0], s1  }
0x67: {  	s0 =	simm.s32 @!p0 $0x2  }
0x68: {  	_ =	swait.ge @!p0 [sflag:s0], s1  }
0x69: {  	s1 =	ssub.s32 @!p0 $0x0, s1;
	[sflag:s0] =	ssyncset.done @!p0 $0x0  }
0x6a: {  	[sflag:s0] =	ssyncadd.s32 @!p0 s1  }
0x6b: {  	[bflag:$0x3] =	sbarrier.arrive $0xFFFF  }
0x6c: {  	_ =	shalt  }

</sc_bundles>
